<compile_context>
chip_gen: v7x
topology: tpu7x:2x2x1
jax: 0.10.2.dev20260603
libtpu: 0.0.44.dev20260713+nightly
codegen_flags: <defaults>
</compile_context>

<pallas_src>
import functools

import jax
import jax.numpy as jnp
from jax import lax
from jax.experimental import pallas as pl
from jax.experimental.pallas import tpu as pltpu
from jax.experimental.pallas import tpu_sc as plsc

_B = 16384
_D = 64
_NW = 32
_BPW = _B // _NW
_CHUNK = 128
_NCHUNK = _BPW // _CHUNK


def _sc_body(uidx_hbm, iidx_hbm, user_hbm, item_hbm, pout_hbm,
             uidx_v, iidx_v, urows_v, irows_v, pout_v, sem):
    wid = lax.axis_index("s") * 2 + lax.axis_index("c")
    base = wid * _BPW

    pltpu.sync_copy(uidx_hbm.at[pl.ds(base, _BPW)], uidx_v)
    pltpu.sync_copy(iidx_hbm.at[pl.ds(base, _BPW)], iidx_v)

    copies = []
    for j in range(_NCHUNK):
        idx = uidx_v.at[pl.ds(j * _CHUNK, _CHUNK)]
        dst = urows_v.at[pl.ds(j * _CHUNK, _CHUNK)]
        copies.append(pltpu.make_async_copy(user_hbm.at[idx], dst, sem))
    for j in range(_NCHUNK):
        idx = iidx_v.at[pl.ds(j * _CHUNK, _CHUNK)]
        dst = irows_v.at[pl.ds(j * _CHUNK, _CHUNK)]
        copies.append(pltpu.make_async_copy(item_hbm.at[idx], dst, sem))
    for c in copies:
        c.start()
    for c in copies:
        c.wait()

    def body(g, carry):
        for rr in range(4):
            r = g * 4 + rr
            s = urows_v[r, pl.ds(0, 16)] * irows_v[r, pl.ds(0, 16)]
            for k in range(1, _D // 16):
                s = s + urows_v[r, pl.ds(k * 16, 16)] * irows_v[r, pl.ds(k * 16, 16)]
            pout_v[r, pl.ds(0, 16)] = s
        return carry

    lax.fori_loop(0, _BPW // 4, body, 0)
    pltpu.sync_copy(pout_v, pout_hbm.at[pl.ds(base, _BPW)])


def _tc_body(p_ref, o_ref):
    r = lax.broadcasted_iota(jnp.int32, (128, 8), 0)
    c = lax.broadcasted_iota(jnp.int32, (128, 8), 1)
    sel = (r // 16 == c).astype(jnp.float32)
    o_ref[...] = jnp.dot(p_ref[...], sel, preferred_element_type=jnp.float32)


def kernel(inputs, user_embedding, item_embedding):
    mesh = plsc.VectorSubcoreMesh(core_axis_name="c", subcore_axis_name="s")
    sc_run = functools.partial(
        pl.kernel,
        out_type=jax.ShapeDtypeStruct((_B, 16), jnp.float32),
        mesh=mesh,
        compiler_params=pltpu.CompilerParams(use_tc_tiling_on_sc=False),
        scratch_types=[
            pltpu.VMEM((_BPW,), jnp.int32),
            pltpu.VMEM((_BPW,), jnp.int32),
            pltpu.VMEM((_BPW, _D), jnp.float32),
            pltpu.VMEM((_BPW, _D), jnp.float32),
            pltpu.VMEM((_BPW, 16), jnp.float32),
            pltpu.SemaphoreType.DMA,
        ],
    )(_sc_body)
    uidx = inputs[:, 0].reshape(_B)
    iidx = inputs[:, 1].reshape(_B)
    partials = sc_run(uidx, iidx, user_embedding, item_embedding)
    out = pl.pallas_call(
        _tc_body,
        out_shape=jax.ShapeDtypeStruct((_B // 8, 8), jnp.float32),
    )(partials.reshape(_B // 8, 128))
    return out.reshape(_B)

# --- scband reference (transcript-rebuilt; emitter-appended) ---
"""Pipeline reference for scband-recommender-25288767439509 (READ-ONLY COPY).

The authoritative reference and input builder live on the scoring server;
editing this copy changes nothing except your own understanding.
"""

import jax, jax.numpy as jnp
import numpy as np

NUM_USERS = 100000
NUM_ITEMS = 100000
EMBED_DIM = 64
BATCH = 16384


def setup_inputs(seed: int = 0) -> dict:
    key = jax.random.key(seed)
    k1, k2, k3 = jax.random.split(key, 3)
    inputs = jax.random.randint(k1, (BATCH, 2), 0, NUM_USERS, dtype=jnp.int32)
    user_embedding = jax.random.normal(k2, (NUM_USERS, EMBED_DIM), dtype=jnp.float32) * 0.05
    item_embedding = jax.random.normal(k3, (NUM_ITEMS, EMBED_DIM), dtype=jnp.float32) * 0.05
    return {"inputs": inputs, "user_embedding": user_embedding, "item_embedding": item_embedding}


def reference(inputs, user_embedding, item_embedding):
    # Faithful translation of Recommender.call
    user_vec = jnp.take(user_embedding, inputs[:, 0], axis=0)   # [B, D] embedding gather
    item_vec = jnp.take(item_embedding, inputs[:, 1], axis=0)   # [B, D] embedding gather
    return jnp.sum(user_vec * item_vec, axis=1)                 # [B] dot-product score

if __name__ == "__main__":
    import jax
    _d = setup_inputs()
    print(jax.jit(kernel)(*tuple(_d.values())))

</pallas_src>

<mosaic_0001>
#map = affine_map<(d0, d1) -> (0)>
#map1 = affine_map<(d0, d1) -> (0, 0)>
module attributes {stable_mosaic.version = 14 : i64} {
  func.func @_sc_body(%arg0: i32, %arg1: i32, %arg2: memref<16384xi32, #tpu.memory_space<hbm>>, %arg3: memref<16384xi32, #tpu.memory_space<hbm>>, %arg4: memref<100000x64xf32, #tpu.memory_space<hbm>>, %arg5: memref<100000x64xf32, #tpu.memory_space<hbm>>, %arg6: memref<16384x16xf32, #tpu.memory_space<hbm>>, %arg7: memref<512xi32, #tpu.memory_space<vmem>>, %arg8: memref<512xi32, #tpu.memory_space<vmem>>, %arg9: memref<512x64xf32, #tpu.memory_space<vmem>>, %arg10: memref<512x64xf32, #tpu.memory_space<vmem>>, %arg11: memref<512x16xf32, #tpu.memory_space<vmem>>, %arg12: memref<!tpu.dma_semaphore, #tpu.memory_space<semaphore_mem>>) attributes {dimension_semantics = [#tpu.dimension_semantics<core_parallel>, #tpu.dimension_semantics<subcore_parallel>], iteration_bounds = array<i64: 2, 16>, scalar_prefetch = 0 : i64, scratch_operands = 6 : i64, tpu.core_type = #tpu.core_type<sc_vector_subcore>, window_params = [{transform_indices = #map}, {transform_indices = #map}, {transform_indices = #map1}, {transform_indices = #map1}, {transform_indices = #map1}]} {
    %mul3A = arith.constant 2 : i32
    %mul3A_0 = arith.muli %arg1, %mul3A : i32
    %add3A = arith.addi %mul3A_0, %arg0 : i32
    %mul3A_1 = arith.constant 512 : i32
    %mul3A_2 = arith.muli %add3A, %mul3A_1 : i32
    "tpu.region"() ({
      %run_scoped3A = tpu.sem_alloc : memref<!tpu.dma_semaphore, #tpu.memory_space<semaphore_mem>>
      %dma_start3A_134 = tpu.memref_slice %arg2[%mul3A_2] : memref<16384xi32, #tpu.memory_space<hbm>> -> memref<512xi32, #tpu.memory_space<hbm>>
      %dma_start3A_135 = tpu.memref_slice %arg2[%mul3A_2] : memref<16384xi32, #tpu.memory_space<hbm>> -> memref<512xi32, #tpu.memory_space<hbm>>
      tpu.enqueue_dma source(%dma_start3A_135 : memref<512xi32, #tpu.memory_space<hbm>>) target(%arg7 : memref<512xi32, #tpu.memory_space<vmem>>) target_semaphore(%run_scoped3A : memref<!tpu.dma_semaphore, #tpu.memory_space<semaphore_mem>>)
      %dma_wait3A_136 = tpu.memref_slice %arg2[%mul3A_2] : memref<16384xi32, #tpu.memory_space<hbm>> -> memref<512xi32, #tpu.memory_space<hbm>>
      %dma_wait3A_137 = tpu.memref_slice %arg2[%mul3A_2] : memref<16384xi32, #tpu.memory_space<hbm>> -> memref<512xi32, #tpu.memory_space<hbm>>
      tpu.wait_dma2 semaphore(%run_scoped3A : memref<!tpu.dma_semaphore, #tpu.memory_space<semaphore_mem>>) src(%dma_wait3A_137 : memref<512xi32, #tpu.memory_space<hbm>>) dst(%arg7 : memref<512xi32, #tpu.memory_space<vmem>>)
      tpu.yield
    }) : () -> ()
    "tpu.region"() ({
      %run_scoped3A = tpu.sem_alloc : memref<!tpu.dma_semaphore, #tpu.memory_space<semaphore_mem>>
      %dma_start3A_134 = tpu.memref_slice %arg3[%mul3A_2] : memref<16384xi32, #tpu.memory_space<hbm>> -> memref<512xi32, #tpu.memory_space<hbm>>
      %dma_start3A_135 = tpu.memref_slice %arg3[%mul3A_2] : memref<16384xi32, #tpu.memory_space<hbm>> -> memref<512xi32, #tpu.memory_space<hbm>>
      tpu.enqueue_dma source(%dma_start3A_135 : memref<512xi32, #tpu.memory_space<hbm>>) target(%arg8 : memref<512xi32, #tpu.memory_space<vmem>>) target_semaphore(%run_scoped3A : memref<!tpu.dma_semaphore, #tpu.memory_space<semaphore_mem>>)
      %dma_wait3A_136 = tpu.memref_slice %arg3[%mul3A_2] : memref<16384xi32, #tpu.memory_space<hbm>> -> memref<512xi32, #tpu.memory_space<hbm>>
      %dma_wait3A_137 = tpu.memref_slice %arg3[%mul3A_2] : memref<16384xi32, #tpu.memory_space<hbm>> -> memref<512xi32, #tpu.memory_space<hbm>>
      tpu.wait_dma2 semaphore(%run_scoped3A : memref<!tpu.dma_semaphore, #tpu.memory_space<semaphore_mem>>) src(%dma_wait3A_137 : memref<512xi32, #tpu.memory_space<hbm>>) dst(%arg8 : memref<512xi32, #tpu.memory_space<vmem>>)
      tpu.yield
    }) : () -> ()
    %dma_start3A = arith.constant 0 : i32
    %dma_start3A_3 = arith.constant 0 : i32
    %dma_start3A_4 = tpu.memref_slice %arg9[%dma_start3A, %dma_start3A_3] : memref<512x64xf32, #tpu.memory_space<vmem>> -> memref<128x64xf32, #tpu.memory_space<vmem>>
    %dma_start3A_5 = arith.constant 0 : i32
    %dma_start3A_6 = tpu.memref_slice %arg7[%dma_start3A_5] : memref<512xi32, #tpu.memory_space<vmem>> -> memref<128xi32, #tpu.memory_space<vmem>>
    %dma_start3A_7 = arith.constant 0 : i32
    %dma_start3A_8 = arith.constant 0 : i32
    %dma_start3A_9 = tpu.memref_slice %arg4[%dma_start3A_7, %dma_start3A_8] : memref<100000x64xf32, #tpu.memory_space<hbm>> -> memref<100000x64xf32, #tpu.memory_space<hbm>>
    tpu.enqueue_indirect_dma source(%dma_start3A_9 : memref<100000x64xf32, #tpu.memory_space<hbm>>) target(%dma_start3A_4 : memref<128x64xf32, #tpu.memory_space<vmem>>) offsets(%dma_start3A_6 : memref<128xi32, #tpu.memory_space<vmem>>) semaphore(%arg12 : memref<!tpu.dma_semaphore, #tpu.memory_space<semaphore_mem>>)
    %dma_start3A_10 = arith.constant 128 : i32
    %dma_start3A_11 = arith.constant 0 : i32
    %dma_start3A_12 = tpu.memref_slice %arg9[%dma_start3A_10, %dma_start3A_11] : memref<512x64xf32, #tpu.memory_space<vmem>> -> memref<128x64xf32, #tpu.memory_space<vmem>>
    %dma_start3A_13 = arith.constant 128 : i32
    %dma_start3A_14 = tpu.memref_slice %arg7[%dma_start3A_13] : memref<512xi32, #tpu.memory_space<vmem>> -> memref<128xi32, #tpu.memory_space<vmem>>
    %dma_start3A_15 = arith.constant 0 : i32
    %dma_start3A_16 = arith.constant 0 : i32
    %dma_start3A_17 = tpu.memref_slice %arg4[%dma_start3A_15, %dma_start3A_16] : memref<100000x64xf32, #tpu.memory_space<hbm>> -> memref<100000x64xf32, #tpu.memory_space<hbm>>
    tpu.enqueue_indirect_dma source(%dma_start3A_17 : memref<100000x64xf32, #tpu.memory_space<hbm>>) target(%dma_start3A_12 : memref<128x64xf32, #tpu.memory_space<vmem>>) offsets(%dma_start3A_14 : memref<128xi32, #tpu.memory_space<vmem>>) semaphore(%arg12 : memref<!tpu.dma_semaphore, #tpu.memory_space<semaphore_mem>>)
    %dma_start3A_18 = arith.constant 256 : i32
    %dma_start3A_19 = arith.constant 0 : i32
    %dma_start3A_20 = tpu.memref_slice %arg9[%dma_start3A_18, %dma_start3A_19] : memref<512x64xf32, #tpu.memory_space<vmem>> -> memref<128x64xf32, #tpu.memory_space<vmem>>
    %dma_start3A_21 = arith.constant 256 : i32
    %dma_start3A_22 = tpu.memref_slice %arg7[%dma_start3A_21] : memref<512xi32, #tpu.memory_space<vmem>> -> memref<128xi32, #tpu.memory_space<vmem>>
    %dma_start3A_23 = arith.constant 0 : i32
    %dma_start3A_24 = arith.constant 0 : i32
    %dma_start3A_25 = tpu.memref_slice %arg4[%dma_start3A_23, %dma_start3A_24] : memref<100000x64xf32, #tpu.memory_space<hbm>> -> memref<100000x64xf32, #tpu.memory_space<hbm>>
    tpu.enqueue_indirect_dma source(%dma_start3A_25 : memref<100000x64xf32, #tpu.memory_space<hbm>>) target(%dma_start3A_20 : memref<128x64xf32, #tpu.memory_space<vmem>>) offsets(%dma_start3A_22 : memref<128xi32, #tpu.memory_space<vmem>>) semaphore(%arg12 : memref<!tpu.dma_semaphore, #tpu.memory_space<semaphore_mem>>)
    %dma_start3A_26 = arith.constant 384 : i32
    %dma_start3A_27 = arith.constant 0 : i32
    %dma_start3A_28 = tpu.memref_slice %arg9[%dma_start3A_26, %dma_start3A_27] : memref<512x64xf32, #tpu.memory_space<vmem>> -> memref<128x64xf32, #tpu.memory_space<vmem>>
    %dma_start3A_29 = arith.constant 384 : i32
    %dma_start3A_30 = tpu.memref_slice %arg7[%dma_start3A_29] : memref<512xi32, #tpu.memory_space<vmem>> -> memref<128xi32, #tpu.memory_space<vmem>>
    %dma_start3A_31 = arith.constant 0 : i32
    %dma_start3A_32 = arith.constant 0 : i32
    %dma_start3A_33 = tpu.memref_slice %arg4[%dma_start3A_31, %dma_start3A_32] : memref<100000x64xf32, #tpu.memory_space<hbm>> -> memref<100000x64xf32, #tpu.memory_space<hbm>>
    tpu.enqueue_indirect_dma source(%dma_start3A_33 : memref<100000x64xf32, #tpu.memory_space<hbm>>) target(%dma_start3A_28 : memref<128x64xf32, #tpu.memory_space<vmem>>) offsets(%dma_start3A_30 : memref<128xi32, #tpu.memory_space<vmem>>) semaphore(%arg12 : memref<!tpu.dma_semaphore, #tpu.memory_space<semaphore_mem>>)
    %dma_start3A_34 = arith.constant 0 : i32
    %dma_start3A_35 = arith.constant 0 : i32
    %dma_start3A_36 = tpu.memref_slice %arg10[%dma_start3A_34, %dma_start3A_35] : memref<512x64xf32, #tpu.memory_space<vmem>> -> memref<128x64xf32, #tpu.memory_space<vmem>>
    %dma_start3A_37 = arith.constant 0 : i32
    %dma_start3A_38 = tpu.memref_slice %arg8[%dma_start3A_37] : memref<512xi32, #tpu.memory_space<vmem>> -> memref<128xi32, #tpu.memory_space<vmem>>
    %dma_start3A_39 = arith.constant 0 : i32
    %dma_start3A_40 = arith.constant 0 : i32
    %dma_start3A_41 = tpu.memref_slice %arg5[%dma_start3A_39, %dma_start3A_40] : memref<100000x64xf32, #tpu.memory_space<hbm>> -> memref<100000x64xf32, #tpu.memory_space<hbm>>
    tpu.enqueue_indirect_dma source(%dma_start3A_41 : memref<100000x64xf32, #tpu.memory_space<hbm>>) target(%dma_start3A_36 : memref<128x64xf32, #tpu.memory_space<vmem>>) offsets(%dma_start3A_38 : memref<128xi32, #tpu.memory_space<vmem>>) semaphore(%arg12 : memref<!tpu.dma_semaphore, #tpu.memory_space<semaphore_mem>>)
    %dma_start3A_42 = arith.constant 128 : i32
    %dma_start3A_43 = arith.constant 0 : i32
    %dma_start3A_44 = tpu.memref_slice %arg10[%dma_start3A_42, %dma_start3A_43] : memref<512x64xf32, #tpu.memory_space<vmem>> -> memref<128x64xf32, #tpu.memory_space<vmem>>
    %dma_start3A_45 = arith.constant 128 : i32
    %dma_start3A_46 = tpu.memref_slice %arg8[%dma_start3A_45] : memref<512xi32, #tpu.memory_space<vmem>> -> memref<128xi32, #tpu.memory_space<vmem>>
    %dma_start3A_47 = arith.constant 0 : i32
    %dma_start3A_48 = arith.constant 0 : i32
    %dma_start3A_49 = tpu.memref_slice %arg5[%dma_start3A_47, %dma_start3A_48] : memref<100000x64xf32, #tpu.memory_space<hbm>> -> memref<100000x64xf32, #tpu.memory_space<hbm>>
    tpu.enqueue_indirect_dma source(%dma_start3A_49 : memref<100000x64xf32, #tpu.memory_space<hbm>>) target(%dma_start3A_44 : memref<128x64xf32, #tpu.memory_space<vmem>>) offsets(%dma_start3A_46 : memref<128xi32, #tpu.memory_space<vmem>>) semaphore(%arg12 : memref<!tpu.dma_semaphore, #tpu.memory_space<semaphore_mem>>)
    %dma_start3A_50 = arith.constant 256 : i32
    %dma_start3A_51 = arith.constant 0 : i32
    %dma_start3A_52 = tpu.memref_slice %arg10[%dma_start3A_50, %dma_start3A_51] : memref<512x64xf32, #tpu.memory_space<vmem>> -> memref<128x64xf32, #tpu.memory_space<vmem>>
    %dma_start3A_53 = arith.constant 256 : i32
    %dma_start3A_54 = tpu.memref_slice %arg8[%dma_start3A_53] : memref<512xi32, #tpu.memory_space<vmem>> -> memref<128xi32, #tpu.memory_space<vmem>>
    %dma_start3A_55 = arith.constant 0 : i32
    %dma_start3A_56 = arith.constant 0 : i32
    %dma_start3A_57 = tpu.memref_slice %arg5[%dma_start3A_55, %dma_start3A_56] : memref<100000x64xf32, #tpu.memory_space<hbm>> -> memref<100000x64xf32, #tpu.memory_space<hbm>>
    tpu.enqueue_indirect_dma source(%dma_start3A_57 : memref<100000x64xf32, #tpu.memory_space<hbm>>) target(%dma_start3A_52 : memref<128x64xf32, #tpu.memory_space<vmem>>) offsets(%dma_start3A_54 : memref<128xi32, #tpu.memory_space<vmem>>) semaphore(%arg12 : memref<!tpu.dma_semaphore, #tpu.memory_space<semaphore_mem>>)
    %dma_start3A_58 = arith.constant 384 : i32
    %dma_start3A_59 = arith.constant 0 : i32
    %dma_start3A_60 = tpu.memref_slice %arg10[%dma_start3A_58, %dma_start3A_59] : memref<512x64xf32, #tpu.memory_space<vmem>> -> memref<128x64xf32, #tpu.memory_space<vmem>>
    %dma_start3A_61 = arith.constant 384 : i32
    %dma_start3A_62 = tpu.memref_slice %arg8[%dma_start3A_61] : memref<512xi32, #tpu.memory_space<vmem>> -> memref<128xi32, #tpu.memory_space<vmem>>
    %dma_start3A_63 = arith.constant 0 : i32
    %dma_start3A_64 = arith.constant 0 : i32
    %dma_start3A_65 = tpu.memref_slice %arg5[%dma_start3A_63, %dma_start3A_64] : memref<100000x64xf32, #tpu.memory_space<hbm>> -> memref<100000x64xf32, #tpu.memory_space<hbm>>
    tpu.enqueue_indirect_dma source(%dma_start3A_65 : memref<100000x64xf32, #tpu.memory_space<hbm>>) target(%dma_start3A_60 : memref<128x64xf32, #tpu.memory_space<vmem>>) offsets(%dma_start3A_62 : memref<128xi32, #tpu.memory_space<vmem>>) semaphore(%arg12 : memref<!tpu.dma_semaphore, #tpu.memory_space<semaphore_mem>>)
    %dma_wait3A = arith.constant 0 : i32
    %dma_wait3A_66 = arith.constant 0 : i32
    %dma_wait3A_67 = tpu.memref_slice %arg9[%dma_wait3A, %dma_wait3A_66] : memref<512x64xf32, #tpu.memory_space<vmem>> -> memref<128x64xf32, #tpu.memory_space<vmem>>
    %dma_wait3A_68 = arith.constant 0 : i32
    %dma_wait3A_69 = tpu.memref_slice %arg7[%dma_wait3A_68] : memref<512xi32, #tpu.memory_space<vmem>> -> memref<128xi32, #tpu.memory_space<vmem>>
    %dma_wait3A_70 = arith.constant 0 : i32
    %dma_wait3A_71 = arith.constant 0 : i32
    %dma_wait3A_72 = tpu.memref_slice %arg4[%dma_wait3A_70, %dma_wait3A_71] : memref<100000x64xf32, #tpu.memory_space<hbm>> -> memref<100000x64xf32, #tpu.memory_space<hbm>>
    tpu.wait_indirect_dma semaphore(%arg12 : memref<!tpu.dma_semaphore, #tpu.memory_space<semaphore_mem>>) src(%dma_wait3A_72 : memref<100000x64xf32, #tpu.memory_space<hbm>>) dst(%dma_wait3A_67 : memref<128x64xf32, #tpu.memory_space<vmem>>)
    %dma_wait3A_73 = arith.constant 128 : i32
    %dma_wait3A_74 = arith.constant 0 : i32
    %dma_wait3A_75 = tpu.memref_slice %arg9[%dma_wait3A_73, %dma_wait3A_74] : memref<512x64xf32, #tpu.memory_space<vmem>> -> memref<128x64xf32, #tpu.memory_space<vmem>>
    %dma_wait3A_76 = arith.constant 128 : i32
    %dma_wait3A_77 = tpu.memref_slice %arg7[%dma_wait3A_76] : memref<512xi32, #tpu.memory_space<vmem>> -> memref<128xi32, #tpu.memory_space<vmem>>
    %dma_wait3A_78 = arith.constant 0 : i32
    %dma_wait3A_79 = arith.constant 0 : i32
    %dma_wait3A_80 = tpu.memref_slice %arg4[%dma_wait3A_78, %dma_wait3A_79] : memref<100000x64xf32, #tpu.memory_space<hbm>> -> memref<100000x64xf32, #tpu.memory_space<hbm>>
    tpu.wait_indirect_dma semaphore(%arg12 : memref<!tpu.dma_semaphore, #tpu.memory_space<semaphore_mem>>) src(%dma_wait3A_80 : memref<100000x64xf32, #tpu.memory_space<hbm>>) dst(%dma_wait3A_75 : memref<128x64xf32, #tpu.memory_space<vmem>>)
    %dma_wait3A_81 = arith.constant 256 : i32
    %dma_wait3A_82 = arith.constant 0 : i32
    %dma_wait3A_83 = tpu.memref_slice %arg9[%dma_wait3A_81, %dma_wait3A_82] : memref<512x64xf32, #tpu.memory_space<vmem>> -> memref<128x64xf32, #tpu.memory_space<vmem>>
    %dma_wait3A_84 = arith.constant 256 : i32
    %dma_wait3A_85 = tpu.memref_slice %arg7[%dma_wait3A_84] : memref<512xi32, #tpu.memory_space<vmem>> -> memref<128xi32, #tpu.memory_space<vmem>>
    %dma_wait3A_86 = arith.constant 0 : i32
    %dma_wait3A_87 = arith.constant 0 : i32
    %dma_wait3A_88 = tpu.memref_slice %arg4[%dma_wait3A_86, %dma_wait3A_87] : memref<100000x64xf32, #tpu.memory_space<hbm>> -> memref<100000x64xf32, #tpu.memory_space<hbm>>
    tpu.wait_indirect_dma semaphore(%arg12 : memref<!tpu.dma_semaphore, #tpu.memory_space<semaphore_mem>>) src(%dma_wait3A_88 : memref<100000x64xf32, #tpu.memory_space<hbm>>) dst(%dma_wait3A_83 : memref<128x64xf32, #tpu.memory_space<vmem>>)
    %dma_wait3A_89 = arith.constant 384 : i32
    %dma_wait3A_90 = arith.constant 0 : i32
    %dma_wait3A_91 = tpu.memref_slice %arg9[%dma_wait3A_89, %dma_wait3A_90] : memref<512x64xf32, #tpu.memory_space<vmem>> -> memref<128x64xf32, #tpu.memory_space<vmem>>
    %dma_wait3A_92 = arith.constant 384 : i32
    %dma_wait3A_93 = tpu.memref_slice %arg7[%dma_wait3A_92] : memref<512xi32, #tpu.memory_space<vmem>> -> memref<128xi32, #tpu.memory_space<vmem>>
    %dma_wait3A_94 = arith.constant 0 : i32
    %dma_wait3A_95 = arith.constant 0 : i32
    %dma_wait3A_96 = tpu.memref_slice %arg4[%dma_wait3A_94, %dma_wait3A_95] : memref<100000x64xf32, #tpu.memory_space<hbm>> -> memref<100000x64xf32, #tpu.memory_space<hbm>>
    tpu.wait_indirect_dma semaphore(%arg12 : memref<!tpu.dma_semaphore, #tpu.memory_space<semaphore_mem>>) src(%dma_wait3A_96 : memref<100000x64xf32, #tpu.memory_space<hbm>>) dst(%dma_wait3A_91 : memref<128x64xf32, #tpu.memory_space<vmem>>)
    %dma_wait3A_97 = arith.constant 0 : i32
    %dma_wait3A_98 = arith.constant 0 : i32
    %dma_wait3A_99 = tpu.memref_slice %arg10[%dma_wait3A_97, %dma_wait3A_98] : memref<512x64xf32, #tpu.memory_space<vmem>> -> memref<128x64xf32, #tpu.memory_space<vmem>>
    %dma_wait3A_100 = arith.constant 0 : i32
    %dma_wait3A_101 = tpu.memref_slice %arg8[%dma_wait3A_100] : memref<512xi32, #tpu.memory_space<vmem>> -> memref<128xi32, #tpu.memory_space<vmem>>
    %dma_wait3A_102 = arith.constant 0 : i32
    %dma_wait3A_103 = arith.constant 0 : i32
    %dma_wait3A_104 = tpu.memref_slice %arg5[%dma_wait3A_102, %dma_wait3A_103] : memref<100000x64xf32, #tpu.memory_space<hbm>> -> memref<100000x64xf32, #tpu.memory_space<hbm>>
    tpu.wait_indirect_dma semaphore(%arg12 : memref<!tpu.dma_semaphore, #tpu.memory_space<semaphore_mem>>) src(%dma_wait3A_104 : memref<100000x64xf32, #tpu.memory_space<hbm>>) dst(%dma_wait3A_99 : memref<128x64xf32, #tpu.memory_space<vmem>>)
    %dma_wait3A_105 = arith.constant 128 : i32
    %dma_wait3A_106 = arith.constant 0 : i32
    %dma_wait3A_107 = tpu.memref_slice %arg10[%dma_wait3A_105, %dma_wait3A_106] : memref<512x64xf32, #tpu.memory_space<vmem>> -> memref<128x64xf32, #tpu.memory_space<vmem>>
    %dma_wait3A_108 = arith.constant 128 : i32
    %dma_wait3A_109 = tpu.memref_slice %arg8[%dma_wait3A_108] : memref<512xi32, #tpu.memory_space<vmem>> -> memref<128xi32, #tpu.memory_space<vmem>>
    %dma_wait3A_110 = arith.constant 0 : i32
    %dma_wait3A_111 = arith.constant 0 : i32
    %dma_wait3A_112 = tpu.memref_slice %arg5[%dma_wait3A_110, %dma_wait3A_111] : memref<100000x64xf32, #tpu.memory_space<hbm>> -> memref<100000x64xf32, #tpu.memory_space<hbm>>
    tpu.wait_indirect_dma semaphore(%arg12 : memref<!tpu.dma_semaphore, #tpu.memory_space<semaphore_mem>>) src(%dma_wait3A_112 : memref<100000x64xf32, #tpu.memory_space<hbm>>) dst(%dma_wait3A_107 : memref<128x64xf32, #tpu.memory_space<vmem>>)
    %dma_wait3A_113 = arith.constant 256 : i32
    %dma_wait3A_114 = arith.constant 0 : i32
    %dma_wait3A_115 = tpu.memref_slice %arg10[%dma_wait3A_113, %dma_wait3A_114] : memref<512x64xf32, #tpu.memory_space<vmem>> -> memref<128x64xf32, #tpu.memory_space<vmem>>
    %dma_wait3A_116 = arith.constant 256 : i32
    %dma_wait3A_117 = tpu.memref_slice %arg8[%dma_wait3A_116] : memref<512xi32, #tpu.memory_space<vmem>> -> memref<128xi32, #tpu.memory_space<vmem>>
    %dma_wait3A_118 = arith.constant 0 : i32
    %dma_wait3A_119 = arith.constant 0 : i32
    %dma_wait3A_120 = tpu.memref_slice %arg5[%dma_wait3A_118, %dma_wait3A_119] : memref<100000x64xf32, #tpu.memory_space<hbm>> -> memref<100000x64xf32, #tpu.memory_space<hbm>>
    tpu.wait_indirect_dma semaphore(%arg12 : memref<!tpu.dma_semaphore, #tpu.memory_space<semaphore_mem>>) src(%dma_wait3A_120 : memref<100000x64xf32, #tpu.memory_space<hbm>>) dst(%dma_wait3A_115 : memref<128x64xf32, #tpu.memory_space<vmem>>)
    %dma_wait3A_121 = arith.constant 384 : i32
    %dma_wait3A_122 = arith.constant 0 : i32
    %dma_wait3A_123 = tpu.memref_slice %arg10[%dma_wait3A_121, %dma_wait3A_122] : memref<512x64xf32, #tpu.memory_space<vmem>> -> memref<128x64xf32, #tpu.memory_space<vmem>>
    %dma_wait3A_124 = arith.constant 384 : i32
    %dma_wait3A_125 = tpu.memref_slice %arg8[%dma_wait3A_124] : memref<512xi32, #tpu.memory_space<vmem>> -> memref<128xi32, #tpu.memory_space<vmem>>
    %dma_wait3A_126 = arith.constant 0 : i32
    %dma_wait3A_127 = arith.constant 0 : i32
    %dma_wait3A_128 = tpu.memref_slice %arg5[%dma_wait3A_126, %dma_wait3A_127] : memref<100000x64xf32, #tpu.memory_space<hbm>> -> memref<100000x64xf32, #tpu.memory_space<hbm>>
    tpu.wait_indirect_dma semaphore(%arg12 : memref<!tpu.dma_semaphore, #tpu.memory_space<semaphore_mem>>) src(%dma_wait3A_128 : memref<100000x64xf32, #tpu.memory_space<hbm>>) dst(%dma_wait3A_123 : memref<128x64xf32, #tpu.memory_space<vmem>>)
    %scan3A = arith.constant 0 : i32
    %scan3A_129 = arith.constant 0 : i32
    %scan3A_130 = arith.constant 128 : i32
    %scan3A_131 = arith.addi %scan3A_129, %scan3A_130 : i32
    %scan3A_132 = arith.constant 1 : i32
    scf.for %scan3A_134 = %scan3A_129 to %scan3A_131 step %scan3A_132  : i32 {
      %mul3A_135 = arith.constant 4 : i32
      %mul3A_136 = arith.muli %scan3A_134, %mul3A_135 : i32
      %add3A_137 = arith.constant 0 : i32
      %add3A_138 = arith.addi %mul3A_136, %add3A_137 : i32
      %get3A = arith.index_cast %add3A_138 : i32 to index
      %get3A_139 = arith.constant 0 : index
      %get3A_140 = tpu.vector_load %arg9[%get3A, %get3A_139] {strides = array<i32>} : memref<512x64xf32, #tpu.memory_space<vmem>>, vector<1x16xf32>,
      %get3A_141 = vector.shape_cast %get3A_140 : vector<1x16xf32> to vector<16xf32>
      %get3A_142 = arith.index_cast %add3A_138 : i32 to index
      %get3A_143 = arith.constant 0 : index
      %get3A_144 = tpu.vector_load %arg10[%get3A_142, %get3A_143] {strides = array<i32>} : memref<512x64xf32, #tpu.memory_space<vmem>>, vector<1x16xf32>,
      %get3A_145 = vector.shape_cast %get3A_144 : vector<1x16xf32> to vector<16xf32>
      %mul3A_146 = arith.mulf %get3A_141, %get3A_145 : vector<16xf32>
      %get3A_147 = arith.index_cast %add3A_138 : i32 to index
      %get3A_148 = arith.constant 16 : index
      %get3A_149 = tpu.vector_load %arg9[%get3A_147, %get3A_148] {strides = array<i32>} : memref<512x64xf32, #tpu.memory_space<vmem>>, vector<1x16xf32>,
      %get3A_150 = vector.shape_cast %get3A_149 : vector<1x16xf32> to vector<16xf32>
      %get3A_151 = arith.index_cast %add3A_138 : i32 to index
      %get3A_152 = arith.constant 16 : index
      %get3A_153 = tpu.vector_load %arg10[%get3A_151, %get3A_152] {strides = array<i32>} : memref<512x64xf32, #tpu.memory_space<vmem>>, vector<1x16xf32>,
      %get3A_154 = vector.shape_cast %get3A_153 : vector<1x16xf32> to vector<16xf32>
      %mul3A_155 = arith.mulf %get3A_150, %get3A_154 : vector<16xf32>
      %add3A_156 = arith.addf %mul3A_146, %mul3A_155 : vector<16xf32>
      %get3A_157 = arith.index_cast %add3A_138 : i32 to index
      %get3A_158 = arith.constant 32 : index
      %get3A_159 = tpu.vector_load %arg9[%get3A_157, %get3A_158] {strides = array<i32>} : memref<512x64xf32, #tpu.memory_space<vmem>>, vector<1x16xf32>,
      %get3A_160 = vector.shape_cast %get3A_159 : vector<1x16xf32> to vector<16xf32>
      %get3A_161 = arith.index_cast %add3A_138 : i32 to index
      %get3A_162 = arith.constant 32 : index
      %get3A_163 = tpu.vector_load %arg10[%get3A_161, %get3A_162] {strides = array<i32>} : memref<512x64xf32, #tpu.memory_space<vmem>>, vector<1x16xf32>,
      %get3A_164 = vector.shape_cast %get3A_163 : vector<1x16xf32> to vector<16xf32>
      %mul3A_165 = arith.mulf %get3A_160, %get3A_164 : vector<16xf32>
      %add3A_166 = arith.addf %add3A_156, %mul3A_165 : vector<16xf32>
      %get3A_167 = arith.index_cast %add3A_138 : i32 to index
      %get3A_168 = arith.constant 48 : index
      %get3A_169 = tpu.vector_load %arg9[%get3A_167, %get3A_168] {strides = array<i32>} : memref<512x64xf32, #tpu.memory_space<vmem>>, vector<1x16xf32>,
      %get3A_170 = vector.shape_cast %get3A_169 : vector<1x16xf32> to vector<16xf32>
      %get3A_171 = arith.index_cast %add3A_138 : i32 to index
      %get3A_172 = arith.constant 48 : index
      %get3A_173 = tpu.vector_load %arg10[%get3A_171, %get3A_172] {strides = array<i32>} : memref<512x64xf32, #tpu.memory_space<vmem>>, vector<1x16xf32>,
      %get3A_174 = vector.shape_cast %get3A_173 : vector<1x16xf32> to vector<16xf32>
      %mul3A_175 = arith.mulf %get3A_170, %get3A_174 : vector<16xf32>
      %add3A_176 = arith.addf %add3A_166, %mul3A_175 : vector<16xf32>
      %swap3A = arith.index_cast %add3A_138 : i32 to index
      %swap3A_177 = arith.constant 0 : index
      %swap3A_178 = tpu.vector_load %arg11[%swap3A, %swap3A_177] {strides = array<i32>} : memref<512x16xf32, #tpu.memory_space<vmem>>, vector<1x16xf32>,
      %swap3A_179 = vector.shape_cast %swap3A_178 : vector<1x16xf32> to vector<16xf32>
      %swap3A_180 = vector.shape_cast %add3A_176 : vector<16xf32> to vector<1x16xf32>
      tpu.vector_store %arg11[%swap3A, %swap3A_177], %swap3A_180 {strides = array<i32>} : memref<512x16xf32, #tpu.memory_space<vmem>>, vector<1x16xf32>,
      %mul3A_181 = arith.constant 4 : i32
      %mul3A_182 = arith.muli %scan3A_134, %mul3A_181 : i32
      %add3A_183 = arith.constant 1 : i32
      %add3A_184 = arith.addi %mul3A_182, %add3A_183 : i32
      %get3A_185 = arith.index_cast %add3A_184 : i32 to index
      %get3A_186 = arith.constant 0 : index
      %get3A_187 = tpu.vector_load %arg9[%get3A_185, %get3A_186] {strides = array<i32>} : memref<512x64xf32, #tpu.memory_space<vmem>>, vector<1x16xf32>,
      %get3A_188 = vector.shape_cast %get3A_187 : vector<1x16xf32> to vector<16xf32>
      %get3A_189 = arith.index_cast %add3A_184 : i32 to index
      %get3A_190 = arith.constant 0 : index
      %get3A_191 = tpu.vector_load %arg10[%get3A_189, %get3A_190] {strides = array<i32>} : memref<512x64xf32, #tpu.memory_space<vmem>>, vector<1x16xf32>,
      %get3A_192 = vector.shape_cast %get3A_191 : vector<1x16xf32> to vector<16xf32>
      %mul3A_193 = arith.mulf %get3A_188, %get3A_192 : vector<16xf32>
      %get3A_194 = arith.index_cast %add3A_184 : i32 to index
      %get3A_195 = arith.constant 16 : index
      %get3A_196 = tpu.vector_load %arg9[%get3A_194, %get3A_195] {strides = array<i32>} : memref<512x64xf32, #tpu.memory_space<vmem>>, vector<1x16xf32>,
      %get3A_197 = vector.shape_cast %get3A_196 : vector<1x16xf32> to vector<16xf32>
      %get3A_198 = arith.index_cast %add3A_184 : i32 to index
      %get3A_199 = arith.constant 16 : index
      %get3A_200 = tpu.vector_load %arg10[%get3A_198, %get3A_199] {strides = array<i32>} : memref<512x64xf32, #tpu.memory_space<vmem>>, vector<1x16xf32>,
      %get3A_201 = vector.shape_cast %get3A_200 : vector<1x16xf32> to vector<16xf32>
      %mul3A_202 = arith.mulf %get3A_197, %get3A_201 : vector<16xf32>
      %add3A_203 = arith.addf %mul3A_193, %mul3A_202 : vector<16xf32>
      %get3A_204 = arith.index_cast %add3A_184 : i32 to index
      %get3A_205 = arith.constant 32 : index
      %get3A_206 = tpu.vector_load %arg9[%get3A_204, %get3A_205] {strides = array<i32>} : memref<512x64xf32, #tpu.memory_space<vmem>>, vector<1x16xf32>,
      %get3A_207 = vector.shape_cast %get3A_206 : vector<1x16xf32> to vector<16xf32>
      %get3A_208 = arith.index_cast %add3A_184 : i32 to index
      %get3A_209 = arith.constant 32 : index
      %get3A_210 = tpu.vector_load %arg10[%get3A_208, %get3A_209] {strides = array<i32>} : memref<512x64xf32, #tpu.memory_space<vmem>>, vector<1x16xf32>,
      %get3A_211 = vector.shape_cast %get3A_210 : vector<1x16xf32> to vector<16xf32>
      %mul3A_212 = arith.mulf %get3A_207, %get3A_211 : vector<16xf32>
      %add3A_213 = arith.addf %add3A_203, %mul3A_212 : vector<16xf32>
      %get3A_214 = arith.index_cast %add3A_184 : i32 to index
      %get3A_215 = arith.constant 48 : index
      %get3A_216 = tpu.vector_load %arg9[%get3A_214, %get3A_215] {strides = array<i32>} : memref<512x64xf32, #tpu.memory_space<vmem>>, vector<1x16xf32>,
      %get3A_217 = vector.shape_cast %get3A_216 : vector<1x16xf32> to vector<16xf32>
      %get3A_218 = arith.index_cast %add3A_184 : i32 to index
      %get3A_219 = arith.constant 48 : index
      %get3A_220 = tpu.vector_load %arg10[%get3A_218, %get3A_219] {strides = array<i32>} : memref<512x64xf32, #tpu.memory_space<vmem>>, vector<1x16xf32>,
      %get3A_221 = vector.shape_cast %get3A_220 : vector<1x16xf32> to vector<16xf32>
      %mul3A_222 = arith.mulf %get3A_217, %get3A_221 : vector<16xf32>
      %add3A_223 = arith.addf %add3A_213, %mul3A_222 : vector<16xf32>
      %swap3A_224 = arith.index_cast %add3A_184 : i32 to index
      %swap3A_225 = arith.constant 0 : index
      %swap3A_226 = tpu.vector_load %arg11[%swap3A_224, %swap3A_225] {strides = array<i32>} : memref<512x16xf32, #tpu.memory_space<vmem>>, vector<1x16xf32>,
      %swap3A_227 = vector.shape_cast %swap3A_226 : vector<1x16xf32> to vector<16xf32>
      %swap3A_228 = vector.shape_cast %add3A_223 : vector<16xf32> to vector<1x16xf32>
      tpu.vector_store %arg11[%swap3A_224, %swap3A_225], %swap3A_228 {strides = array<i32>} : memref<512x16xf32, #tpu.memory_space<vmem>>, vector<1x16xf32>,
      %mul3A_229 = arith.constant 4 : i32
      %mul3A_230 = arith.muli %scan3A_134, %mul3A_229 : i32
      %add3A_231 = arith.constant 2 : i32
      %add3A_232 = arith.addi %mul3A_230, %add3A_231 : i32
      %get3A_233 = arith.index_cast %add3A_232 : i32 to index
      %get3A_234 = arith.constant 0 : index
      %get3A_235 = tpu.vector_load %arg9[%get3A_233, %get3A_234] {strides = array<i32>} : memref<512x64xf32, #tpu.memory_space<vmem>>, vector<1x16xf32>,
      %get3A_236 = vector.shape_cast %get3A_235 : vector<1x16xf32> to vector<16xf32>
      %get3A_237 = arith.index_cast %add3A_232 : i32 to index
      %get3A_238 = arith.constant 0 : index
      %get3A_239 = tpu.vector_load %arg10[%get3A_237, %get3A_238] {strides = array<i32>} : memref<512x64xf32, #tpu.memory_space<vmem>>, vector<1x16xf32>,
      %get3A_240 = vector.shape_cast %get3A_239 : vector<1x16xf32> to vector<16xf32>
      %mul3A_241 = arith.mulf %get3A_236, %get3A_240 : vector<16xf32>
      %get3A_242 = arith.index_cast %add3A_232 : i32 to index
      %get3A_243 = arith.constant 16 : index
      %get3A_244 = tpu.vector_load %arg9[%get3A_242, %get3A_243] {strides = array<i32>} : memref<512x64xf32, #tpu.memory_space<vmem>>, vector<1x16xf32>,
      %get3A_245 = vector.shape_cast %get3A_244 : vector<1x16xf32> to vector<16xf32>
      %get3A_246 = arith.index_cast %add3A_232 : i32 to index
      %get3A_247 = arith.constant 16 : index
      %get3A_248 = tpu.vector_load %arg10[%get3A_246, %get3A_247] {strides = array<i32>} : memref<512x64xf32, #tpu.memory_space<vmem>>, vector<1x16xf32>,
      %get3A_249 = vector.shape_cast %get3A_248 : vector<1x16xf32> to vector<16xf32>
      %mul3A_250 = arith.mulf %get3A_245, %get3A_249 : vector<16xf32>
      %add3A_251 = arith.addf %mul3A_241, %mul3A_250 : vector<16xf32>
      %get3A_252 = arith.index_cast %add3A_232 : i32 to index
      %get3A_253 = arith.constant 32 : index
      %get3A_254 = tpu.vector_load %arg9[%get3A_252, %get3A_253] {strides = array<i32>} : memref<512x64xf32, #tpu.memory_space<vmem>>, vector<1x16xf32>,
      %get3A_255 = vector.shape_cast %get3A_254 : vector<1x16xf32> to vector<16xf32>
      %get3A_256 = arith.index_cast %add3A_232 : i32 to index
      %get3A_257 = arith.constant 32 : index
      %get3A_258 = tpu.vector_load %arg10[%get3A_256, %get3A_257] {strides = array<i32>} : memref<512x64xf32, #tpu.memory_space<vmem>>, vector<1x16xf32>,
      %get3A_259 = vector.shape_cast %get3A_258 : vector<1x16xf32> to vector<16xf32>
      %mul3A_260 = arith.mulf %get3A_255, %get3A_259 : vector<16xf32>
      %add3A_261 = arith.addf %add3A_251, %mul3A_260 : vector<16xf32>
      %get3A_262 = arith.index_cast %add3A_232 : i32 to index
      %get3A_263 = arith.constant 48 : index
      %get3A_264 = tpu.vector_load %arg9[%get3A_262, %get3A_263] {strides = array<i32>} : memref<512x64xf32, #tpu.memory_space<vmem>>, vector<1x16xf32>,
      %get3A_265 = vector.shape_cast %get3A_264 : vector<1x16xf32> to vector<16xf32>
      %get3A_266 = arith.index_cast %add3A_232 : i32 to index
      %get3A_267 = arith.constant 48 : index
      %get3A_268 = tpu.vector_load %arg10[%get3A_266, %get3A_267] {strides = array<i32>} : memref<512x64xf32, #tpu.memory_space<vmem>>, vector<1x16xf32>,
      %get3A_269 = vector.shape_cast %get3A_268 : vector<1x16xf32> to vector<16xf32>
      %mul3A_270 = arith.mulf %get3A_265, %get3A_269 : vector<16xf32>
      %add3A_271 = arith.addf %add3A_261, %mul3A_270 : vector<16xf32>
      %swap3A_272 = arith.index_cast %add3A_232 : i32 to index
      %swap3A_273 = arith.constant 0 : index
      %swap3A_274 = tpu.vector_load %arg11[%swap3A_272, %swap3A_273] {strides = array<i32>} : memref<512x16xf32, #tpu.memory_space<vmem>>, vector<1x16xf32>,
      %swap3A_275 = vector.shape_cast %swap3A_274 : vector<1x16xf32> to vector<16xf32>
      %swap3A_276 = vector.shape_cast %add3A_271 : vector<16xf32> to vector<1x16xf32>
      tpu.vector_store %arg11[%swap3A_272, %swap3A_273], %swap3A_276 {strides = array<i32>} : memref<512x16xf32, #tpu.memory_space<vmem>>, vector<1x16xf32>,
      %mul3A_277 = arith.constant 4 : i32
      %mul3A_278 = arith.muli %scan3A_134, %mul3A_277 : i32
      %add3A_279 = arith.constant 3 : i32
      %add3A_280 = arith.addi %mul3A_278, %add3A_279 : i32
      %get3A_281 = arith.index_cast %add3A_280 : i32 to index
      %get3A_282 = arith.constant 0 : index
      %get3A_283 = tpu.vector_load %arg9[%get3A_281, %get3A_282] {strides = array<i32>} : memref<512x64xf32, #tpu.memory_space<vmem>>, vector<1x16xf32>,
      %get3A_284 = vector.shape_cast %get3A_283 : vector<1x16xf32> to vector<16xf32>
      %get3A_285 = arith.index_cast %add3A_280 : i32 to index
      %get3A_286 = arith.constant 0 : index
      %get3A_287 = tpu.vector_load %arg10[%get3A_285, %get3A_286] {strides = array<i32>} : memref<512x64xf32, #tpu.memory_space<vmem>>, vector<1x16xf32>,
      %get3A_288 = vector.shape_cast %get3A_287 : vector<1x16xf32> to vector<16xf32>
      %mul3A_289 = arith.mulf %get3A_284, %get3A_288 : vector<16xf32>
      %get3A_290 = arith.index_cast %add3A_280 : i32 to index
      %get3A_291 = arith.constant 16 : index
      %get3A_292 = tpu.vector_load %arg9[%get3A_290, %get3A_291] {strides = array<i32>} : memref<512x64xf32, #tpu.memory_space<vmem>>, vector<1x16xf32>,
      %get3A_293 = vector.shape_cast %get3A_292 : vector<1x16xf32> to vector<16xf32>
      %get3A_294 = arith.index_cast %add3A_280 : i32 to index
      %get3A_295 = arith.constant 16 : index
      %get3A_296 = tpu.vector_load %arg10[%get3A_294, %get3A_295] {strides = array<i32>} : memref<512x64xf32, #tpu.memory_space<vmem>>, vector<1x16xf32>,
      %get3A_297 = vector.shape_cast %get3A_296 : vector<1x16xf32> to vector<16xf32>
      %mul3A_298 = arith.mulf %get3A_293, %get3A_297 : vector<16xf32>
      %add3A_299 = arith.addf %mul3A_289, %mul3A_298 : vector<16xf32>
      %get3A_300 = arith.index_cast %add3A_280 : i32 to index
      %get3A_301 = arith.constant 32 : index
      %get3A_302 = tpu.vector_load %arg9[%get3A_300, %get3A_301] {strides = array<i32>} : memref<512x64xf32, #tpu.memory_space<vmem>>, vector<1x16xf32>,
      %get3A_303 = vector.shape_cast %get3A_302 : vector<1x16xf32> to vector<16xf32>
      %get3A_304 = arith.index_cast %add3A_280 : i32 to index
      %get3A_305 = arith.constant 32 : index
      %get3A_306 = tpu.vector_load %arg10[%get3A_304, %get3A_305] {strides = array<i32>} : memref<512x64xf32, #tpu.memory_space<vmem>>, vector<1x16xf32>,
      %get3A_307 = vector.shape_cast %get3A_306 : vector<1x16xf32> to vector<16xf32>
      %mul3A_308 = arith.mulf %get3A_303, %get3A_307 : vector<16xf32>
      %add3A_309 = arith.addf %add3A_299, %mul3A_308 : vector<16xf32>
      %get3A_310 = arith.index_cast %add3A_280 : i32 to index
      %get3A_311 = arith.constant 48 : index
      %get3A_312 = tpu.vector_load %arg9[%get3A_310, %get3A_311] {strides = array<i32>} : memref<512x64xf32, #tpu.memory_space<vmem>>, vector<1x16xf32>,
      %get3A_313 = vector.shape_cast %get3A_312 : vector<1x16xf32> to vector<16xf32>
      %get3A_314 = arith.index_cast %add3A_280 : i32 to index
      %get3A_315 = arith.constant 48 : index
      %get3A_316 = tpu.vector_load %arg10[%get3A_314, %get3A_315] {strides = array<i32>} : memref<512x64xf32, #tpu.memory_space<vmem>>, vector<1x16xf32>,
      %get3A_317 = vector.shape_cast %get3A_316 : vector<1x16xf32> to vector<16xf32>
      %mul3A_318 = arith.mulf %get3A_313, %get3A_317 : vector<16xf32>
      %add3A_319 = arith.addf %add3A_309, %mul3A_318 : vector<16xf32>
      %swap3A_320 = arith.index_cast %add3A_280 : i32 to index
      %swap3A_321 = arith.constant 0 : index
      %swap3A_322 = tpu.vector_load %arg11[%swap3A_320, %swap3A_321] {strides = array<i32>} : memref<512x16xf32, #tpu.memory_space<vmem>>, vector<1x16xf32>,
      %swap3A_323 = vector.shape_cast %swap3A_322 : vector<1x16xf32> to vector<16xf32>
      %swap3A_324 = vector.shape_cast %add3A_319 : vector<16xf32> to vector<1x16xf32>
      tpu.vector_store %arg11[%swap3A_320, %swap3A_321], %swap3A_324 {strides = array<i32>} : memref<512x16xf32, #tpu.memory_space<vmem>>, vector<1x16xf32>,
    }
    %scan3A_133 = arith.constant 128 : i32
    "tpu.region"() ({
      %run_scoped3A = tpu.sem_alloc : memref<!tpu.dma_semaphore, #tpu.memory_space<semaphore_mem>>
      %dma_start3A_134 = arith.constant 0 : i32
      %dma_start3A_135 = tpu.memref_slice %arg6[%mul3A_2, %dma_start3A_134] : memref<16384x16xf32, #tpu.memory_space<hbm>> -> memref<512x16xf32, #tpu.memory_space<hbm>>
      %dma_start3A_136 = arith.constant 0 : i32
      %dma_start3A_137 = tpu.memref_slice %arg6[%mul3A_2, %dma_start3A_136] : memref<16384x16xf32, #tpu.memory_space<hbm>> -> memref<512x16xf32, #tpu.memory_space<hbm>>
      tpu.enqueue_dma source(%arg11 : memref<512x16xf32, #tpu.memory_space<vmem>>) target(%dma_start3A_137 : memref<512x16xf32, #tpu.memory_space<hbm>>) target_semaphore(%run_scoped3A : memref<!tpu.dma_semaphore, #tpu.memory_space<semaphore_mem>>)
      %dma_wait3A_138 = arith.constant 0 : i32
      %dma_wait3A_139 = tpu.memref_slice %arg6[%mul3A_2, %dma_wait3A_138] : memref<16384x16xf32, #tpu.memory_space<hbm>> -> memref<512x16xf32, #tpu.memory_space<hbm>>
      %dma_wait3A_140 = arith.constant 0 : i32
      %dma_wait3A_141 = tpu.memref_slice %arg6[%mul3A_2, %dma_wait3A_140] : memref<16384x16xf32, #tpu.memory_space<hbm>> -> memref<512x16xf32, #tpu.memory_space<hbm>>
      tpu.wait_dma2 semaphore(%run_scoped3A : memref<!tpu.dma_semaphore, #tpu.memory_space<semaphore_mem>>) src(%arg11 : memref<512x16xf32, #tpu.memory_space<vmem>>) dst(%dma_wait3A_141 : memref<512x16xf32, #tpu.memory_space<hbm>>)
      tpu.yield
    }) : () -> ()
    return
  }
}

module attributes {stable_mosaic.version = 14 : i64} {
  func.func @_tc_body(%arg0: memref<2048x128xf32, #tpu.memory_space<vmem>>, %arg1: memref<2048x8xf32, #tpu.memory_space<vmem>>) attributes {dimension_semantics = [], scalar_prefetch = 0 : i64, scratch_operands = 0 : i64, tpu.core_type = #tpu.core_type<tc>} {
    %iota3A = tpu.iota {dimensions = array<i32: 0>} : vector<128x8xi32>
    %iota3A_0 = tpu.iota {dimensions = array<i32: 1>} : vector<128x8xi32>
    %jit3A = arith.constant 16 : i32
    %div3A = vector.broadcast %jit3A : i32 to vector<128x8xi32>
    %div3A_1 = arith.divsi %iota3A, %div3A : vector<128x8xi32>
    %sign3A = arith.constant 0 : i32
    %sign3A_2 = vector.broadcast %sign3A : i32 to vector<128x8xi32>
    %sign3A_3 = arith.cmpi sgt, %iota3A, %sign3A_2 : vector<128x8xi32>
    %sign3A_4 = arith.extui %sign3A_3 : vector<128x8xi1> to vector<128x8xi32>
    %sign3A_5 = arith.constant 0 : i32
    %sign3A_6 = vector.broadcast %sign3A_5 : i32 to vector<128x8xi32>
    %sign3A_7 = arith.cmpi slt, %iota3A, %sign3A_6 : vector<128x8xi32>
    %sign3A_8 = arith.extui %sign3A_7 : vector<128x8xi1> to vector<128x8xi32>
    %sign3A_9 = arith.subi %sign3A_4, %sign3A_8 : vector<128x8xi32>
    %sign3A_10 = arith.constant 0 : i32
    %sign3A_11 = arith.cmpi sgt, %jit3A, %sign3A_10 : i32
    %sign3A_12 = arith.extui %sign3A_11 : i1 to i32
    %sign3A_13 = arith.constant 0 : i32
    %sign3A_14 = arith.cmpi slt, %jit3A, %sign3A_13 : i32
    %sign3A_15 = arith.extui %sign3A_14 : i1 to i32
    %sign3A_16 = arith.subi %sign3A_12, %sign3A_15 : i32
    %ne3A = vector.broadcast %sign3A_16 : i32 to vector<128x8xi32>
    %ne3A_17 = arith.cmpi ne, %sign3A_9, %ne3A : vector<128x8xi32>
    %rem3A = vector.broadcast %jit3A : i32 to vector<128x8xi32>
    %rem3A_18 = arith.remsi %iota3A, %rem3A : vector<128x8xi32>
    %ne3A_19 = arith.constant 0 : i32
    %ne3A_20 = vector.broadcast %ne3A_19 : i32 to vector<128x8xi32>
    %ne3A_21 = arith.cmpi ne, %rem3A_18, %ne3A_20 : vector<128x8xi32>
    %and3A = arith.andi %ne3A_17, %ne3A_21 : vector<128x8xi1>
    %sub3A = arith.constant 1 : i32
    %sub3A_22 = vector.broadcast %sub3A : i32 to vector<128x8xi32>
    %sub3A_23 = arith.subi %div3A_1, %sub3A_22 : vector<128x8xi32>
    %select_n3A = arith.select %and3A, %sub3A_23, %div3A_1 : vector<128x8xi1>, vector<128x8xi32>
    %eq3A = arith.cmpi eq, %select_n3A, %iota3A_0 : vector<128x8xi32>
    %convert_element_type3A = arith.extui %eq3A : vector<128x8xi1> to vector<128x8xi32>
    %convert_element_type3A_24 = arith.sitofp %convert_element_type3A : vector<128x8xi32> to vector<128x8xf32>
    %get3A = arith.constant 0 : index
    %get3A_25 = arith.constant 0 : index
    %get3A_26 = vector.load %arg0[%get3A, %get3A_25] : memref<2048x128xf32, #tpu.memory_space<vmem>>, vector<2048x128xf32>
    %dot_general3A = arith.constant dense<0.000000e+00> : vector<2048x8xf32>
    %dot_general3A_27 = tpu.matmul %get3A_26, %convert_element_type3A_24, %dot_general3A {dimension_numbers = #tpu.dot_dimension_numbers<[1], [0], [0], [1], [0, 0, 1, 1], [], []>, transpose_lhs_hint = false} : vector<2048x128xf32>, vector<128x8xf32>, vector<2048x8xf32> -> vector<2048x8xf32>
    %swap3A = arith.constant 0 : index
    %swap3A_28 = arith.constant 0 : index
    %swap3A_29 = vector.load %arg1[%swap3A, %swap3A_28] : memref<2048x8xf32, #tpu.memory_space<vmem>>, vector<2048x8xf32>
    tpu.vector_store %arg1[%swap3A, %swap3A_28], %dot_general3A_27 {strides = array<i32>} : memref<2048x8xf32, #tpu.memory_space<vmem>>, vector<2048x8xf32>,
    return
  }
}

</mosaic_0001>

<sc_bundles>
// kernel: kernel.4.cloned.1.call-start
scs
__scs_entry_jumppad:
0x0: {  	(pc) =	sbr.rel $0x88, $3  }
0x1: {  	(tag) =	ssettag $0x0;
	lr =	simm.s32 $0x1  }
0x2: {  	[smem:$0x3F9E] =	sst lr;
	_ =	strace $0xD0000000  }
0x3: {  	_ = 	snop  }
0x4: {  	_ = 	snop  }
0x5: {  	_ = 	snop  }
0x6: {  	_ = 	snop  }
0x7: {  	_ = 	snop  }
__scs_overlays_trampoline_lowered:
0x8: {  	[smem:$0x3FAD] =	sst s0  }
0x9: {  	[smem:$0x3FAE] =	sst s1  }
0xa: {  	[smem:$0x3FAF] =	sst s2  }
0xb: {  	[smem:$0x3FB0] =	sst s3  }
0xc: {  	[smem:$0x3FB1] =	sst s4  }
0xd: {  	[smem:$0x3FB2] =	sst s5  }
0xe: {  	[smem:$0x3FB3] =	sst s6  }
0xf: {  	[smem:$0x3FB4] =	sst s7  }
0x10: {  	[smem:$0x3FB5] =	sst s8  }
0x11: {  	[smem:$0x3FB6] =	sst s9;
	s0 =	simm.s32 @!p0 $0x0  }
0x12: {  	s1 =	sld [smem:$0x3F9C];
	s0 =	simm.s32 @p0 $0x1  }
0x13: {  	[smem:$0x3FB7] =	sst s0;
	s0 =	simm.s32 @!p1 $0x0  }
0x14: {  	s2 =	sld [smem:$0x3F9B];
	s0 =	simm.s32 @p1 $0x1  }
0x15: {  	[smem:$0x3FB8] =	sst s0;
	s0 =	simm.s32 @!p2 $0x0  }
0x16: {  	s3 =	sld [smem:$0x3FDB];
	s0 =	simm.s32 @p2 $0x1  }
0x17: {  	s4 =	simm.s32 $0x1BF5;
	[smem:$0x3FBA] =	sst s0  }
0x18: {  	s0 =	sld [smem:$0x3F9D];
	_ =	swait.ge [sflag:s4], $0x0  }
0x19: {  	s7 =	sld [smem:$0x3F9E]  }
0x1a: {  	s8 =	sadd.s32 $0xFFFFE003, lr  }
0x1b: {  	s9 =	sadd.s32 $0xFFFFFEF7, lr;
	s5 =	simm.s32 $0xFFFFFFFF;
	p2 =	slt.u32 s8, $0xFFFFF086  }
0x1c: {  	p1 =	slt.u32 s9, $0xF7A;
	s5 =	simm.s32 @!p2 $0x0  }
0x1d: {  	s5 =	simm.s32 @p1 $0x1;
	p0 =	seq.s32 s7, s2  }
0x1e: {  	s7 =	smul.u32 @!p0 $0xF7A, s2;
	p2 =	seq.s32 @!p0 s5, $0x0  }
0x1f: {  	s9 =	smul.u32 $0xF7A, s1;
	s8 =	simm.s32 @!p0 $0x1BF5;
	p2 =	por !p2, p0  }
0x20: {  	[sflag:s8] =	ssyncset.s32 @!p0 $0xFFFFF086;
	s6 =	sadd.s32 @!p0 s3, s7;
	s7 =	simm.s32 @!p0 $0x108  }
0x21: {  	s3 =	sadd.s32 s3, s9;
	s6 =	sadd.s32 @!p0 $0x88, s6;
	s7 =	simm.s32 @p2 $0x1082  }
0x22: {  	[simem:s7], [sflag:s8] =	dma.local @!p0 [hbm:s6], $0xF7A  }
0x23: {  	s9 =	sor.u32 $0xD0000000, s2;
	s6 =	simm.s32 $0x108;
	_ =	swait.ge @!p0 [sflag:s8], $0x0  }
0x24: {  	s3 =	sadd.s32 $0x88, s3;
	s6 =	simm.s32 @!p1 $0x1082;
	[sflag:s4] =	ssyncset.s32 $0xFFFFF086  }
0x25: {  	[simem:s6], [sflag:s4] =	dma.local [hbm:s3], $0xF7A  }
0x26: {  	[smem:$0x3F9E] =	sst s1;
	(tag) =	ssettag s2;
	_ =	strace s9  }
0x27: {  	s1 =	sld [smem:$0x3FAE]  }
0x28: {  	s2 =	sld [smem:$0x3FAF]  }
0x29: {  	s4 =	sld [smem:$0x3FB1]  }
0x2a: {  	p0 =	seq.s32 s5, $0x0;
	s5 =	sld [smem:$0x3FB2]  }
0x2b: {  	s6 =	sld [smem:$0x3FB3]  }
0x2c: {  	s7 =	sld [smem:$0x3FB4]  }
0x2d: {  	s3 =	simm.s32 $0x108;
	s8 =	sld [smem:$0x3FB5]  }
0x2e: {  	s3 =	simm.s32 @!p0 $0x1082;
	s9 =	sld [smem:$0x3FB6]  }
0x2f: {  	lr =	sadd.s32 s0, s3;
	s0 =	sld [smem:$0x3FAD]  }
0x30: {  	s3 =	sld [smem:$0x3FB0]  }
0x31: {  	[smem:$0x3FB9] =	sst s10  }
0x32: {  	s10 =	sld [smem:$0x3FB7];
	_ =	sdelay $0x3  }
0x33: {  	p0 =	seq.s32 s10, $0x1;
	s10 =	sld [smem:$0x3FB9];
	_ =	sdelay $0x3  }
0x34: {  	[smem:$0x3FB9] =	sst s10  }
0x35: {  	s10 =	sld [smem:$0x3FB8];
	_ =	sdelay $0x3  }
0x36: {  	p1 =	seq.s32 s10, $0x1;
	s10 =	sld [smem:$0x3FB9];
	_ =	sdelay $0x3  }
0x37: {  	[smem:$0x3FB9] =	sst s10  }
0x38: {  	s10 =	sld [smem:$0x3FBA]  }
0x39: {  	_ = 	snop;
	(pc) =	sbr.ind lr, $3  }
0x3a: {  	_ = 	snop  }
0x3b: {  	_ = 	snop  }
0x3c: {  	p2 =	seq.s32 s10, $0x1;
	s10 =	sld [smem:$0x3FB9]  }
0x3d: {  	_ =	shalt  }
0x3e: {  	_ =	shalt  }
0x3f: {  	_ =	shalt  }
0x40: {  	_ =	shalt  }
0x41: {  	_ =	shalt  }
0x42: {  	_ =	shalt  }
0x43: {  	_ =	shalt  }
0x44: {  	_ =	shalt  }
0x45: {  	_ =	shalt  }
0x46: {  	_ =	shalt  }
0x47: {  	_ =	shalt  }
0x48: {  	_ =	shalt  }
0x49: {  	_ =	shalt  }
0x4a: {  	_ =	shalt  }
0x4b: {  	_ =	shalt  }
0x4c: {  	_ =	shalt  }
0x4d: {  	_ =	shalt  }
0x4e: {  	_ =	shalt  }
0x4f: {  	_ =	shalt  }
0x50: {  	_ =	shalt  }
0x51: {  	_ =	shalt  }
0x52: {  	_ =	shalt  }
0x53: {  	_ =	shalt  }
0x54: {  	_ =	shalt  }
0x55: {  	_ =	shalt  }
0x56: {  	_ =	shalt  }
0x57: {  	_ =	shalt  }
0x58: {  	_ =	shalt  }
0x59: {  	_ =	shalt  }
0x5a: {  	_ =	shalt  }
0x5b: {  	_ =	shalt  }
0x5c: {  	_ =	shalt  }
0x5d: {  	_ =	shalt  }
0x5e: {  	_ =	shalt  }
0x5f: {  	_ =	shalt  }
0x60: {  	_ =	shalt  }
0x61: {  	_ =	shalt  }
0x62: {  	_ =	shalt  }
0x63: {  	_ =	shalt  }
0x64: {  	_ =	shalt  }
0x65: {  	_ =	shalt  }
0x66: {  	_ =	shalt  }
0x67: {  	_ =	shalt  }
0x68: {  	_ =	shalt  }
0x69: {  	_ =	shalt  }
0x6a: {  	_ =	shalt  }
0x6b: {  	_ =	shalt  }
0x6c: {  	_ =	shalt  }
0x6d: {  	_ =	shalt  }
0x6e: {  	_ =	shalt  }
0x6f: {  	_ =	shalt  }
0x70: {  	_ =	shalt  }
0x71: {  	_ =	shalt  }
0x72: {  	_ =	shalt  }
0x73: {  	_ =	shalt  }
0x74: {  	_ =	shalt  }
0x75: {  	_ =	shalt  }
0x76: {  	_ =	shalt  }
0x77: {  	_ =	shalt  }
0x78: {  	_ =	shalt  }
0x79: {  	_ =	shalt  }
0x7a: {  	_ =	shalt  }
0x7b: {  	_ =	shalt  }
0x7c: {  	_ =	shalt  }
0x7d: {  	_ =	shalt  }
0x7e: {  	_ =	shalt  }
0x7f: {  	_ =	shalt  }
0x80: {  	_ =	shalt  }
0x81: {  	_ =	shalt  }
0x82: {  	_ =	shalt  }
0x83: {  	_ =	shalt  }
0x84: {  	_ =	shalt  }
0x85: {  	_ =	shalt  }
0x86: {  	_ =	shalt  }
0x87: {  	_ =	shalt  }
.Lfunc_end0:
.L_simem_size_0:
called_computation_lowered:
.L_overlay_start_0:
0x88: {  	s2 =	sld [smem:$0x3FD9]  }
0x89: {  	s3 =	sld [smem:$0x3FFE];
	_ =	sdelay $0x1  }
0x8a: {  	s1 =	srdreg.scid  }
0x8b: {  	s0 =	sand.u32 $0x1, s1  }
0x8c: {  	s17 =	sshll.u32 s0, $0xA;
	s2 =	sadd.s32 s3, s2  }
0x8d: {  	s2 =	sadd.s32 s2, s17  }
0x8e: {  	[smem:$0x3FC5] =	sst s2  }
0x8f: {  	_ = 	snop  }
0x90: {  	s2 =	sld [smem:$0x3FD0];
	(tm) =	ssettm $0x1  }
0x91: {  	s18 =	sld [smem:$0x3FFB];
	_ =	sdelay $0x3  }
0x92: {  	_ =	strace s18  }
0x93: {  	s3 =	sld [smem:$0x3FFC];
	_ =	sdelay $0x3  }
0x94: {  	_ =	strace s3  }
0x95: {  	s3 =	sld [smem:$0x3FFD];
	_ =	sdelay $0x3  }
0x96: {  	_ =	strace s3  }
0x97: {  	_ =	strace $0x8FFFFFFF  }
0x98: {  	s19 =	sld [smem:$0x3FDB];
	_ =	sdelay $0x1  }
0x99: {  	s4 =	simm.s32 $_scs_section_size  }
0x9a: {  	s5 =	simm.s32 $_size__tile_overlayer_lowered;
	s6 =	simm.s32 $_tile_overlayer_lowered  }
0x9b: {  	s22 =	simm.s32 $0x1BFF;
	s21 =	sshll.u32 s6, $0x1;
	s3 =	sadd.s32 s4, s19  }
0x9c: {  	s7 =	simm.s32 $0x0;
	s20 =	sshll.u32 s5, $0x1;
	s5 =	sadd.s32 s21, s3  }
0x9d: {  	[timem:s7], [sflag:s22] =	dma.local [hbm:s5], s20  }
0x9e: {  	_ =	swait.ge [sflag:s22], s20  }
0x9f: {  	s4 =	ssub.s32 $0x0, s20;
	[sflag:s22] =	ssyncset.done $0x0  }
0xa0: {  	[sflag:s22] =	ssyncadd.s32 s4;
	_ =	sdelay $0x1  }
0xa1: {  	s23 =	simm.s32 $0x1B8B  }
0xa2: {  	_ =	swait.ge [sflag:s23], $0x1  }
0xa3: {  	[sflag:s23] =	ssyncset.done $0x0  }
0xa4: {  	s25 =	simm.s32 $0x1B8E;
	s24 =	sld [smem:$0x3FFE];
	[sflag:s23] =	ssyncadd.s32 $0xFFFFFFFF  }
0xa5: {  	s26 =	simm.s32 $execute0_lowered;
	[smem:$0x3FD2] =	sst s25  }
0xa6: {  	s5 =	sshll.u32 s26, $0x1;
	_ =	strace $0x80000046;
	[dreg:$0x1] =	wrdreg $0xFFFFFFFF  }
0xa7: {  	s28 =	simm.s32 $_size_execute0_lowered;
	s3 =	sadd.s32 s3, s5;
	[dreg:$0x0] =	wrdreg $0x0  }
0xa8: {  	s5 =	sshll.u32 s28, $0x1;
	[dreg:$0x2] =	wrdreg s3  }
0xa9: {  	[dreg:$0x3] =	wrdreg s5  }
0xaa: {  	[dreg:$0x4] =	wrdreg $0xC0  }
0xab: {  	_ =	task [dreg:s7], $0x5FFFF  }
0xac: {  	[dreg:$0x1] =	wrdreg $0xFFFFFFFF  }
0xad: {  	[dreg:$0x0] =	wrdreg $0x60  }
0xae: {  	[dreg:$0x2] =	wrdreg s24  }
0xaf: {  	[dreg:$0x3] =	wrdreg s2  }
0xb0: {  	[dreg:$0x4] =	wrdreg $0x9  }
0xb1: {  	_ =	task.clear_ibuf [dreg:s7], $0x5FFFF;
	_ =	strace $0x90000046  }
0xb2: {  	s29 =	simm.s32 $0x9;
	_ =	strace $0x80000048  }
0xb3: {  	_ =	swait.ge [sflag:s29], $0x1  }
0xb4: {  	[sflag:s29] =	ssyncadd.s32 $0xFFFFFFFF  }
0xb5: {  	_ =	strace $0x90000048  }
0xb6: {  	_ =	sfence  }
0xb7: {  	s30 =	sld [smem:$0x0];
	_ =	sdelay $0x2  }
0xb8: {  	s31 =	sshll.u32 s1, $0xD;
	s1 =	sshrl.u32 s1, $0x2  }
0xb9: {  	s3 =	sand.u32 $0x4000, s31;
	s1 =	sadd.s32 s1, s30  }
0xba: {  	s0 =	sor.u32 s3, s0;
	s1 =	sshll.u32 s1, $0x11  }
0xbb: {  	s0 =	sor.u32 s1, s0  }
0xbc: {  	s0 =	sadd.s32 $0x8F2B, s0  }
0xbd: {  	[sflag:s0] =	ssyncadd.remote.s32 $0x1  }
0xbe: {  	_ =	sfence.sel $0xFFFF  }
0xbf: {  	[dreg:$0x0] =	wrdreg $0xFFFFFFFF;
	(pc) =	sbr.abs _section_cstart, $3  }
0xc0: {  	[dreg:$0x1] =	wrdreg $0xFFFFFFFF  }
0xc1: {  	_ =	task.clear_ibuf [dreg:s7], $0x2FFFF;
	_ =	strace $0x9FFFFFFF  }
0xc2: {  	(tm) =	ssettm $0x7FFFFFFF  }
0xc3: {  	_ =	shalt  }
tec
execute0_lowered:
.L_overlay_start_1:
0x0: {  	(tag) =	ssettag $0x1  }
0x1: {  	s1 =	srdreg.scid;
	s5 =	rddreg [dreg:$0x0]  }
0x2: {  	s0 =	stileid.u32;
	s6 =	rddreg [dreg:$0x1]  }
0x3: {  	s2 =	simm.s32 $0x0;
	s10 =	simm.s32 $0x200;
	s11 =	simm.s32 $0x80  }
0x4: {  	s12 =	simm.s32 $0x400;
	s13 =	simm.s32 $0x2400;
	s14 =	simm.s32 $0x100  }
0x5: {  	s15 =	simm.s32 $0x4400;
	s16 =	simm.s32 $0x180;
	s17 =	simm.s32 $0x6400  }
0x6: {  	s18 =	simm.s32 $0x8400;
	s19 =	simm.s32 $0x280;
	s20 =	simm.s32 $0xA400  }
0x7: {  	s21 =	simm.s32 $0x300;
	s22 =	simm.s32 $0xC400;
	s23 =	simm.s32 $0x380  }
0x8: {  	s24 =	simm.s32 $0xE400;
	s25 =	simm.s32 $0x1;
	s26 =	simm.s32 $0x10400  }
0x9: {  	s28 =	simm.s32 $0x0;
	s1 =	sand.u32 $0x1, s1;
	[smem:$0x7FF] =	sst s2  }
0xa: {  	s3 =	sshll.u32 s0, $0xA;
	s4 =	sshll.u32 s1, $0x9;
	_ =	strace $0x80000047  }
0xb: {  	s1 =	ssub.s32 $0x2, s1;
	s4 =	sor.u32 s4, s3;
	s3 =	sadd.s32 $0x189600, s5  }
0xc: {  	s31 =	sshrl.u32 s1, $0x1;
	s7 =	sshrl.u32 s4, $0x3;
	s9 =	sshll.u32 s4, $0x1  }
0xd: {  	s4 =	sadd.s32 $0x24CC00, s5;
	s1 =	ssub.s32 s1, s31;
	s8 =	sadd.s32 s7, s5  }
0xe: {  	s9 =	sadd.s32 s9, s5;
	s6 =	sadd.s32 s6, s7;
	s5 =	sadd.s32 $0x2400, s8  }
0xf: {  	s7 =	sadd.s32 $0x2C00, s9;
	s8 =	smax.u32 s1, $0x1;
	s9 =	simm.s32 $0x2  }
.LBB2_1:
0x10: {  	[tilespmem:s2], [sflag:$0x2] =	stream.linear.gather [hbm4b:s5+s2], $0x200, $0x38;
	[tilespmem:$0x12400] =	vst v63  }
0x11: {  	_ =	swait.ge [sflag:s9], $0x200  }
0x12: {  	[sflag:s9] =	ssyncset.done $0x0  }
0x13: {  	[sflag:s9] =	ssyncadd.s32 $0xFFFFFE00  }
0x14: {  	[tilespmem:s10], [sflag:$0x2] =	stream.linear.gather [hbm4b:s6+s2], $0x200, $0x38;
	[tilespmem:$0x12400] =	vst v63  }
0x15: {  	_ =	swait.ge [sflag:s9], $0x200  }
0x16: {  	[sflag:s9] =	ssyncset.done $0x0  }
0x17: {  	[sflag:s9] =	ssyncadd.s32 $0xFFFFFE00  }
0x18: {  	[tilespmem:s12], [sflag:$0x1] =	stream.indirect.gather [hbm4b:s3+s11], $0x40, s2, s11, $0xb8;
	[tilespmem:$0x12400] =	vst v63  }
0x19: {  	_ = 	snop  }
0x1a: {  	[tilespmem:s13], [sflag:$0x1] =	stream.indirect.gather [hbm4b:s3+s11], $0x40, s11, s11, $0xb8;
	[tilespmem:$0x12400] =	vst v63  }
0x1b: {  	_ = 	snop  }
0x1c: {  	[tilespmem:s15], [sflag:$0x1] =	stream.indirect.gather [hbm4b:s3+s11], $0x40, s14, s11, $0xb8;
	[tilespmem:$0x12400] =	vst v63  }
0x1d: {  	_ = 	snop  }
0x1e: {  	[tilespmem:s17], [sflag:$0x1] =	stream.indirect.gather [hbm4b:s3+s11], $0x40, s16, s11, $0xb8;
	[tilespmem:$0x12400] =	vst v63  }
0x1f: {  	_ = 	snop  }
0x20: {  	[tilespmem:s18], [sflag:$0x1] =	stream.indirect.gather [hbm4b:s4+s11], $0x40, s10, s11, $0xb8;
	[tilespmem:$0x12400] =	vst v63  }
0x21: {  	_ = 	snop  }
0x22: {  	[tilespmem:s20], [sflag:$0x1] =	stream.indirect.gather [hbm4b:s4+s11], $0x40, s19, s11, $0xb8;
	[tilespmem:$0x12400] =	vst v63  }
0x23: {  	_ = 	snop  }
0x24: {  	[tilespmem:s22], [sflag:$0x1] =	stream.indirect.gather [hbm4b:s4+s11], $0x40, s21, s11, $0xb8;
	[tilespmem:$0x12400] =	vst v63  }
0x25: {  	_ = 	snop  }
0x26: {  	[tilespmem:s24], [sflag:$0x1] =	stream.indirect.gather [hbm4b:s4+s11], $0x40, s23, s11, $0xb8;
	[tilespmem:$0x12400] =	vst v63  }
0x27: {  	_ =	swait.ge [sflag:s25], $0x2000  }
0x28: {  	[sflag:s25] =	ssyncset.done $0x0  }
0x29: {  	[sflag:s25] =	ssyncadd.s32 $0xFFFFE000  }
0x2a: {  	_ =	swait.ge [sflag:s25], $0x2000  }
0x2b: {  	[sflag:s25] =	ssyncset.done $0x0  }
0x2c: {  	[sflag:s25] =	ssyncadd.s32 $0xFFFFE000  }
0x2d: {  	_ =	swait.ge [sflag:s25], $0x2000  }
0x2e: {  	[sflag:s25] =	ssyncset.done $0x0  }
0x2f: {  	[sflag:s25] =	ssyncadd.s32 $0xFFFFE000  }
0x30: {  	_ =	swait.ge [sflag:s25], $0x2000  }
0x31: {  	[sflag:s25] =	ssyncset.done $0x0  }
0x32: {  	[sflag:s25] =	ssyncadd.s32 $0xFFFFE000  }
0x33: {  	_ =	swait.ge [sflag:s25], $0x2000  }
0x34: {  	[sflag:s25] =	ssyncset.done $0x0  }
0x35: {  	[sflag:s25] =	ssyncadd.s32 $0xFFFFE000  }
0x36: {  	_ =	swait.ge [sflag:s25], $0x2000  }
0x37: {  	[sflag:s25] =	ssyncset.done $0x0  }
0x38: {  	[sflag:s25] =	ssyncadd.s32 $0xFFFFE000  }
0x39: {  	_ =	swait.ge [sflag:s25], $0x2000  }
0x3a: {  	[sflag:s25] =	ssyncset.done $0x0  }
0x3b: {  	[sflag:s25] =	ssyncadd.s32 $0xFFFFE000  }
0x3c: {  	_ =	swait.ge [sflag:s25], $0x2000  }
0x3d: {  	[sflag:s25] =	ssyncset.done $0x0  }
0x3e: {  	s29 =	simm.s32 $0x0;
	[sflag:s25] =	ssyncadd.s32 $0xFFFFE000  }
0x3f: {  	v0 =	vld [tilespmem:s29+$0x8410]  }
0x40: {  	v1 =	vld [tilespmem:s29+$0x400]  }
0x41: {  	v2 =	vld [tilespmem:s29+$0x410]  }
0x42: {  	v3 =	vld [tilespmem:s29+$0x8400]  }
0x43: {  	v4 =	vld [tilespmem:s29+$0x8420]  }
0x44: {  	v5 =	vld [tilespmem:s29+$0x420]  }
0x45: {  	v6 =	vld [tilespmem:s29+$0x8430]  }
0x46: {  	v7 =	vld [tilespmem:s29+$0x430]  }
0x47: {  	v0 =	vmul.f32 v0, v2;
	v1 =	vmul.f32 v3, v1;
	_ =	sdelay $0x1  }
0x48: {  	v0 =	vadd.f32 v0, v1;
	v1 =	vmul.f32 v4, v5;
	_ =	sdelay $0x1  }
0x49: {  	v0 =	vadd.f32 v1, v0;
	v1 =	vmul.f32 v6, v7;
	_ =	sdelay $0x1  }
0x4a: {  	v0 =	vadd.f32 v1, v0  }
0x4b: {  	s30 =	simm.s32 $0x10420  }
0x4c: {  	[tilespmem:s30+$0xFFFFFFE0] =	vst v0  }
0x4d: {  	v0 =	vld [tilespmem:s29+$0x440]  }
0x4e: {  	v1 =	vld [tilespmem:s29+$0x8440]  }
0x4f: {  	v2 =	vld [tilespmem:s29+$0x450]  }
0x50: {  	v3 =	vld [tilespmem:s29+$0x8450]  }
0x51: {  	v4 =	vld [tilespmem:s29+$0x8460]  }
0x52: {  	v5 =	vld [tilespmem:s29+$0x460]  }
0x53: {  	v60 =	vld [tilespmem:s29+$0x8470]  }
0x54: {  	v61 =	vld [tilespmem:s29+$0x470]  }
0x55: {  	v0 =	vmul.f32 v1, v0;
	v1 =	vmul.f32 v3, v2;
	_ =	sdelay $0x1  }
0x56: {  	v0 =	vadd.f32 v1, v0;
	v1 =	vmul.f32 v4, v5;
	_ =	sdelay $0x1  }
0x57: {  	v0 =	vadd.f32 v1, v0;
	v1 =	vmul.f32 v60, v61;
	_ =	sdelay $0x1  }
0x58: {  	v0 =	vadd.f32 v1, v0;
	_ =	sdelay $0x1  }
0x59: {  	[tilespmem:s30+$0xFFFFFFF0] =	vst v0  }
0x5a: {  	v0 =	vld [tilespmem:s29+$0x480]  }
0x5b: {  	v1 =	vld [tilespmem:s29+$0x8490]  }
0x5c: {  	v2 =	vld [tilespmem:s29+$0x8480]  }
0x5d: {  	v3 =	vld [tilespmem:s29+$0x490]  }
0x5e: {  	v4 =	vld [tilespmem:s29+$0x4A0]  }
0x5f: {  	v5 =	vld [tilespmem:s29+$0x84A0]  }
0x60: {  	v62 =	vld [tilespmem:s29+$0x4B0]  }
0x61: {  	v63 =	vld [tilespmem:s29+$0x84B0]  }
0x62: {  	v0 =	vmul.f32 v2, v0;
	v1 =	vmul.f32 v1, v3;
	_ =	sdelay $0x1  }
0x63: {  	v0 =	vadd.f32 v1, v0;
	v1 =	vmul.f32 v5, v4;
	_ =	sdelay $0x1  }
0x64: {  	v0 =	vadd.f32 v1, v0;
	v1 =	vmul.f32 v63, v62;
	_ =	sdelay $0x1  }
0x65: {  	v0 =	vadd.f32 v1, v0;
	_ =	sdelay $0x1  }
0x66: {  	[tilespmem:s30+$0x0] =	vst v0  }
0x67: {  	v0 =	vld [tilespmem:s29+$0x4E0]  }
0x68: {  	v1 =	vld [tilespmem:s29+$0x4C0]  }
0x69: {  	v2 =	vld [tilespmem:s29+$0x84E0]  }
0x6a: {  	s1 =	simm.s32 $0x400;
	s31 =	simm.s32 $0x10420;
	v3 =	vld [tilespmem:s29+$0x84D0]  }
.LBB2_2:
0x6b: {  	p0 =	sne.s32 s1, $0x1FC00  }
0x6c: {  	v4 =	vld [tilespmem:s29+$0x84C0];
	s30 =	sadd.s32 $0x40, s30;
	s0 =	smov.u32 s1;
	s1 =	sadd.s32 $0x400, s1  }
0x6d: {  	v5 =	vld [tilespmem:s29+$0x4D0]  }
0x6e: {  	v6 =	vld [tilespmem:s29+$0x4F0]  }
0x6f: {  	v7 =	vld [tilespmem:s29+$0x84F0];
	_ =	sdelay $0x1  }
0x70: {  	v0 =	vmul.f32 v2, v0;
	v1 =	vmul.f32 v4, v1  }
0x71: {  	v2 =	vmul.f32 v3, v5;
	_ =	sdelay $0x1  }
0x72: {  	v1 =	vadd.f32 v2, v1  }
0x73: {  	v2 =	vmul.f32 v7, v6  }
0x74: {  	v0 =	vadd.f32 v0, v1;
	_ =	sdelay $0x1  }
0x75: {  	v0 =	vadd.f32 v2, v0;
	_ =	sdelay $0x1  }
0x76: {  	s29 =	sshra.s32 s0, $0x2;
	[tilespmem:s31+$0x10] =	vst v0;
	s31 =	smov.u32 s30  }
0x77: {  	v0 =	vld [tilespmem:s29+$0x8410]  }
0x78: {  	v1 =	vld [tilespmem:s29+$0x400]  }
0x79: {  	v2 =	vld [tilespmem:s29+$0x410]  }
0x7a: {  	v3 =	vld [tilespmem:s29+$0x8400]  }
0x7b: {  	v4 =	vld [tilespmem:s29+$0x8420]  }
0x7c: {  	v5 =	vld [tilespmem:s29+$0x420]  }
0x7d: {  	v6 =	vld [tilespmem:s29+$0x8430]  }
0x7e: {  	v0 =	vmul.f32 v0, v2;
	v2 =	vld [tilespmem:s29+$0x430]  }
0x7f: {  	v1 =	vmul.f32 v3, v1;
	_ =	sdelay $0x1  }
0x80: {  	v0 =	vadd.f32 v0, v1;
	v1 =	vmul.f32 v4, v5;
	_ =	sdelay $0x1  }
0x81: {  	v0 =	vadd.f32 v1, v0;
	v1 =	vmul.f32 v6, v2;
	_ =	sdelay $0x1  }
0x82: {  	v0 =	vadd.f32 v1, v0;
	_ =	sdelay $0x1  }
0x83: {  	[tilespmem:s30+$0xFFFFFFE0] =	vst v0  }
0x84: {  	v0 =	vld [tilespmem:s29+$0x440]  }
0x85: {  	v1 =	vld [tilespmem:s29+$0x8440]  }
0x86: {  	v2 =	vld [tilespmem:s29+$0x450]  }
0x87: {  	v3 =	vld [tilespmem:s29+$0x8450]  }
0x88: {  	v4 =	vld [tilespmem:s29+$0x8460]  }
0x89: {  	v5 =	vld [tilespmem:s29+$0x460]  }
0x8a: {  	v0 =	vmul.f32 v1, v0;
	v1 =	vld [tilespmem:s29+$0x8470]  }
0x8b: {  	v6 =	vld [tilespmem:s29+$0x470]  }
0x8c: {  	v2 =	vmul.f32 v3, v2;
	_ =	sdelay $0x1  }
0x8d: {  	v0 =	vadd.f32 v2, v0;
	v2 =	vmul.f32 v4, v5;
	_ =	sdelay $0x1  }
0x8e: {  	v0 =	vadd.f32 v2, v0;
	v1 =	vmul.f32 v1, v6;
	_ =	sdelay $0x1  }
0x8f: {  	v0 =	vadd.f32 v1, v0;
	_ =	sdelay $0x1  }
0x90: {  	[tilespmem:s30+$0xFFFFFFF0] =	vst v0  }
0x91: {  	v0 =	vld [tilespmem:s29+$0x480]  }
0x92: {  	v1 =	vld [tilespmem:s29+$0x8490]  }
0x93: {  	v2 =	vld [tilespmem:s29+$0x8480]  }
0x94: {  	v3 =	vld [tilespmem:s29+$0x490]  }
0x95: {  	v4 =	vld [tilespmem:s29+$0x4A0]  }
0x96: {  	v5 =	vld [tilespmem:s29+$0x84A0]  }
0x97: {  	v6 =	vld [tilespmem:s29+$0x4B0]  }
0x98: {  	v0 =	vmul.f32 v2, v0;
	v2 =	vld [tilespmem:s29+$0x84B0]  }
0x99: {  	v1 =	vmul.f32 v1, v3;
	_ =	sdelay $0x1  }
0x9a: {  	v0 =	vadd.f32 v1, v0;
	v1 =	vmul.f32 v5, v4;
	_ =	sdelay $0x1  }
0x9b: {  	v0 =	vadd.f32 v1, v0;
	v1 =	vmul.f32 v2, v6;
	_ =	sdelay $0x1  }
0x9c: {  	v0 =	vadd.f32 v1, v0;
	_ =	sdelay $0x1  }
.Ltmp0:
0x9d: {  	[tilespmem:s30+$0x0] =	vst v0;
	(pc) =	sbr.rel @p0 .LBB2_2-.Ltmp0, $4  }
0x9e: {  	v0 =	vld [tilespmem:s29+$0x4E0]  }
0x9f: {  	v1 =	vld [tilespmem:s29+$0x4C0]  }
0xa0: {  	v2 =	vld [tilespmem:s29+$0x84E0]  }
0xa1: {  	v3 =	vld [tilespmem:s29+$0x84D0]  }
0xa2: {  	v4 =	vld [tilespmem:s29+$0x84C0]  }
0xa3: {  	v5 =	vld [tilespmem:s29+$0x4D0];
	_ =	sdelay $0x2  }
0xa4: {  	v6 =	vld [tilespmem:s29+$0x4F0]  }
0xa5: {  	v7 =	vld [tilespmem:s29+$0x84F0]  }
0xa6: {  	v1 =	vmul.f32 v4, v1;
	v3 =	vmul.f32 v3, v5;
	_ =	sdelay $0x1  }
0xa7: {  	v0 =	vmul.f32 v2, v0;
	v1 =	vadd.f32 v3, v1;
	_ =	sdelay $0x1  }
0xa8: {  	v63 =	vmul.f32 v7, v6;
	v0 =	vadd.f32 v0, v1;
	_ =	sdelay $0x1  }
0xa9: {  	s28 =	sadd.s32 $0x1, s28;
	v0 =	vadd.f32 v63, v0  }
0xaa: {  	p0 =	sne.s32 s28, s8  }
.Ltmp1:
0xab: {  	[tilespmem:s31+$0x10] =	vst v0;
	(pc) =	sbr.rel @p0 .LBB2_1-.Ltmp1, $4  }
0xac: {  	[hbm4b:s7+s2] =	stream.linear.scatter [tilespmem:s26], [sflag:$0x2], $0x2000, $0x38;
	[tilespmem:$0x12400] =	vst v63  }
0xad: {  	_ =	swait.ge [sflag:s9], $0x2000  }
0xae: {  	[sflag:s9] =	ssyncset.done $0x0  }
0xaf: {  	[sflag:s9] =	ssyncadd.s32 $0xFFFFE000  }
0xb0: {  	_ =	sfence.sel $0x180000  }
0xb1: {  	[bflag:$0x0] =	sbarrier.arrive $0xFFFF  }
0xb2: {  	_ =	strace $0x90000047  }
0xb3: {  	s0 =	stileid.u32;
	[bflag:$0x2] =	sbarrier.arrive $0xFFFF  }
0xb4: {  	p0 =	sne.s32 s0, $0x0;
	s0 =	rddreg [dreg:$0x2]  }
0xb5: {  	s0 =	sadd.s32 @!p0 $0x100000, s0  }
0xb6: {  	[sflag:s0] =	ssyncadd.tile.s32 @!p0 $0x1;
	_ =	shalt  }
.Lfunc_end2:
_tile_overlayer_lowered:
.L_overlay_start_2:
0xb7: {  	(tag) =	ssettag $0x2  }
0xb8: {  	s0 =	rddreg [dreg:$0x0];
	s2 =	stileid.u32  }
0xb9: {  	s1 =	rddreg [dreg:$0x1];
	p0 =	sne.s32 s2, $0x0  }
0xba: {  	s3 =	rddreg [dreg:$0x2];
	[bflag:$0x3] =	sbarrier.arrive $0xFFFF;
	s2 =	simm.s32 @!p0 $0x1C02  }
0xbb: {  	[timem:s3], [sflag:s2] =	dma.local @!p0 [hbm:s0], s1  }
0xbc: {  	s0 =	simm.s32 @!p0 $0x2  }
0xbd: {  	_ =	swait.ge @!p0 [sflag:s0], s1  }
0xbe: {  	s1 =	ssub.s32 @!p0 $0x0, s1;
	[sflag:s0] =	ssyncset.done @!p0 $0x0  }
0xbf: {  	[sflag:s0] =	ssyncadd.s32 @!p0 s1  }
0xc0: {  	[bflag:$0x3] =	sbarrier.arrive $0xFFFF  }
0xc1: {  	_ =	shalt  }

</sc_bundles>
